<compile_context>
chip_gen: v7x
topology: tpu7x:2x2x1
jax: 0.10.2.dev20260603
libtpu: 0.0.44.dev20260713+nightly
codegen_flags: <defaults>
</compile_context>

<pallas_src>
import functools

import jax
import jax.numpy as jnp
from jax import lax
from jax.experimental import pallas as pl
from jax.experimental.pallas import tpu as pltpu
from jax.experimental.pallas import tpu_sc as plsc

_N_NODES = 10000
_D = 128
_N_EDGES = 320000

_NC = 2
_LANES = 16
_E_PER = 10112
_LAST_LO = _N_EDGES - _E_PER
_Q_OFF = 10240


def _tc_body(x_ref, wt_ref, bias_ref, pq_ref):
    bias = jnp.concatenate(
        [bias_ref[...], jnp.zeros_like(bias_ref[...])], axis=0
    )
    pq = (
        lax.dot_general(
            wt_ref[...], x_ref[...],
            dimension_numbers=(((1,), (1,)), ((), ())),
            preferred_element_type=jnp.float32,
        )
        + bias
    )
    pq_ref[pl.ds(0, _N_NODES)] = pq[0:1, :].reshape(_N_NODES)
    pq_ref[pl.ds(_Q_OFF, _N_NODES)] = pq[1:2, :].reshape(_N_NODES)


def _tc_prep(x, W, b):
    wt = W.reshape(2, _D)
    bias = b.reshape(1, 1)
    return pl.pallas_call(
        _tc_body,
        out_shape=jax.ShapeDtypeStruct((_Q_OFF + _N_NODES,), jnp.float32),
    )(x, wt, bias)


def _sc_body(
    table_hbm, edges_hbm, out_hbm, tab_v, win_v, out_v, tab_sh, sem, sem2, sem3
):
    wid = lax.axis_index("s") * _NC + lax.axis_index("c")
    base = jnp.minimum(wid * _E_PER, _LAST_LO)
    cut = 5120
    c1 = pltpu.async_copy(
        edges_hbm.at[:, pl.ds(base, cut)], win_v.at[:, pl.ds(0, cut)], sem2
    )
    @pl.when(lax.axis_index("s") == 0)
    def _():
        pltpu.sync_copy(table_hbm, tab_sh)

    plsc.subcore_barrier()
    c0 = pltpu.async_copy(tab_sh, tab_v, sem)
    c2 = pltpu.async_copy(
        edges_hbm.at[:, pl.ds(base + cut, _E_PER - cut)],
        win_v.at[:, pl.ds(cut, _E_PER - cut)],
        sem3,
    )
    c1.wait()
    c0.wait()

    def run(lo, hi):
        @plsc.parallel_loop(lo, hi, step=_LANES, unroll=8)
        def _(i):
            sl = pl.ds(i, _LANES)
            si = win_v[0, sl]
            di = win_v[1, sl]
            pv = plsc.load_gather(tab_v, [si])
            qv = plsc.load_gather(tab_v, [di + _Q_OFF])
            out_v[sl] = pv + qv

    run(0, cut)
    c3 = pltpu.async_copy(
        out_v.at[pl.ds(0, cut)], out_hbm.at[0, pl.ds(base, cut)], sem2
    )
    c2.wait()
    run(cut, _E_PER)
    c4 = pltpu.async_copy(
        out_v.at[pl.ds(cut, _E_PER - cut)],
        out_hbm.at[0, pl.ds(base + cut, _E_PER - cut)],
        sem3,
    )
    c3.wait()
    c4.wait()


@functools.cache
def _sc_gather():
    return pl.kernel(
        _sc_body,
        mesh=plsc.VectorSubcoreMesh(core_axis_name="c", subcore_axis_name="s"),
        compiler_params=pltpu.CompilerParams(needs_layout_passes=False),
        out_type=jax.ShapeDtypeStruct((1, _N_EDGES), jnp.float32),
        scratch_types=[
            pltpu.VMEM((_Q_OFF + _N_NODES,), jnp.float32),
            pltpu.VMEM((2, _E_PER), jnp.int32),
            pltpu.VMEM((_E_PER,), jnp.float32),
            pltpu.VMEM_SHARED((_Q_OFF + _N_NODES,), jnp.float32),
            pltpu.SemaphoreType.DMA,
            pltpu.SemaphoreType.DMA,
            pltpu.SemaphoreType.DMA,
        ],
    )


def kernel(x, edge_label_index, W, b):
    table = _tc_prep(x, W, b)
    out = _sc_gather()(table, edge_label_index.astype(jnp.int32))
    return out.reshape(_N_EDGES, 1)

# --- scband reference (transcript-rebuilt; emitter-appended) ---
"""Pipeline reference for scband-edge-decoder-11802570129872 (READ-ONLY COPY).

The authoritative reference and input builder live on the scoring server;
editing this copy changes nothing except your own understanding.
"""

import jax, jax.numpy as jnp
import numpy as np

N_NODES = 10000
D = 128
N_EDGES = 320000
OUT_DIM = 1


def setup_inputs(seed: int = 0) -> dict:
    key = jax.random.key(seed)
    k1, k2, k3, k4 = jax.random.split(key, 4)
    x = jax.random.normal(k1, (N_NODES, D), dtype=jnp.float32)
    edge_label_index = jax.random.randint(k2, (2, N_EDGES), 0, N_NODES)
    # nn.Linear(2*hidden_dim, out_dim): weight [out_dim, 2*D], bias [out_dim]
    bound = 1.0 / np.sqrt(2 * D)
    W = jax.random.uniform(k3, (OUT_DIM, 2 * D), dtype=jnp.float32, minval=-bound, maxval=bound)
    b = jax.random.uniform(k4, (OUT_DIM,), dtype=jnp.float32, minval=-bound, maxval=bound)
    return {"x": x, "edge_label_index": edge_label_index, "W": W, "b": b}


def reference(x, edge_label_index, W, b):
    # x_dict has a single node type 'node' since rel_src == rel_dst == 'node'
    h_src = jnp.take(x, edge_label_index[0], axis=0)
    h_dst = jnp.take(x, edge_label_index[1], axis=0)
    concat = jnp.concatenate([h_src, h_dst], axis=1)
    return concat @ W.T + b

if __name__ == "__main__":
    import jax
    _d = setup_inputs()
    print(jax.jit(kernel)(*tuple(_d.values())))

</pallas_src>

<mosaic_0001>
#map = affine_map<(d0, d1) -> (0)>
#map1 = affine_map<(d0, d1) -> (0, 0)>
module attributes {stable_mosaic.version = 14 : i64} {
  func.func @_sc_body(%arg0: i32, %arg1: i32, %arg2: memref<20240xf32, #tpu.memory_space<hbm>>, %arg3: memref<2x320000xi32, #tpu.memory_space<hbm>>, %arg4: memref<1x320000xf32, #tpu.memory_space<hbm>>, %arg5: memref<20240xf32, #tpu.memory_space<vmem>>, %arg6: memref<2x10112xi32, #tpu.memory_space<vmem>>, %arg7: memref<10112xf32, #tpu.memory_space<vmem>>, %arg8: memref<20240xf32, #tpu.memory_space<vmem_shared>>, %arg9: memref<!tpu.dma_semaphore, #tpu.memory_space<semaphore_mem>>, %arg10: memref<!tpu.dma_semaphore, #tpu.memory_space<semaphore_mem>>, %arg11: memref<!tpu.dma_semaphore, #tpu.memory_space<semaphore_mem>>) attributes {dimension_semantics = [#tpu.dimension_semantics<core_parallel>, #tpu.dimension_semantics<subcore_parallel>], iteration_bounds = array<i64: 2, 16>, scalar_prefetch = 0 : i64, scratch_operands = 7 : i64, tpu.core_type = #tpu.core_type<sc_vector_subcore>, window_params = [{transform_indices = #map}, {transform_indices = #map1}, {transform_indices = #map1}]} {
    %mul3A = arith.constant 2 : i32
    %mul3A_0 = arith.muli %arg1, %mul3A : i32
    %add3A = arith.addi %mul3A_0, %arg0 : i32
    %mul3A_1 = arith.constant 10112 : i32
    %mul3A_2 = arith.muli %add3A, %mul3A_1 : i32
    %min3A = arith.constant 309888 : i32
    %min3A_3 = arith.minsi %mul3A_2, %min3A : i32
    %dma_start3A = arith.constant 0 : i32
    %dma_start3A_4 = arith.constant 0 : i32
    %dma_start3A_5 = tpu.memref_slice %arg6[%dma_start3A, %dma_start3A_4] : memref<2x10112xi32, #tpu.memory_space<vmem>> -> memref<2x5120xi32, #tpu.memory_space<vmem>>
    %dma_start3A_6 = arith.constant 0 : i32
    %dma_start3A_7 = tpu.memref_slice %arg3[%dma_start3A_6, %min3A_3] : memref<2x320000xi32, #tpu.memory_space<hbm>> -> memref<2x5120xi32, #tpu.memory_space<hbm>>
    %dma_start3A_8 = arith.constant 0 : i32
    %dma_start3A_9 = arith.constant 0 : i32
    %dma_start3A_10 = tpu.memref_slice %arg6[%dma_start3A_8, %dma_start3A_9] : memref<2x10112xi32, #tpu.memory_space<vmem>> -> memref<2x5120xi32, #tpu.memory_space<vmem>>
    %dma_start3A_11 = arith.constant 0 : i32
    %dma_start3A_12 = tpu.memref_slice %arg3[%dma_start3A_11, %min3A_3] : memref<2x320000xi32, #tpu.memory_space<hbm>> -> memref<2x5120xi32, #tpu.memory_space<hbm>>
    tpu.enqueue_dma source(%dma_start3A_12 : memref<2x5120xi32, #tpu.memory_space<hbm>>) target(%dma_start3A_10 : memref<2x5120xi32, #tpu.memory_space<vmem>>) target_semaphore(%arg10 : memref<!tpu.dma_semaphore, #tpu.memory_space<semaphore_mem>>)
    %eq3A = arith.constant 0 : i32
    %eq3A_13 = arith.cmpi eq, %arg1, %eq3A : i32
    %convert_element_type3A = arith.extui %eq3A_13 : i1 to i32
    %cond3A = arith.constant 0 : i32
    %cond3A_14 = arith.cmpi ne, %convert_element_type3A, %cond3A : i32
    scf.if %cond3A_14 {
      "tpu.region"() ({
        %run_scoped3A = tpu.sem_alloc : memref<!tpu.dma_semaphore, #tpu.memory_space<semaphore_mem>>
        tpu.enqueue_dma source(%arg2 : memref<20240xf32, #tpu.memory_space<hbm>>) target(%arg8 : memref<20240xf32, #tpu.memory_space<vmem_shared>>) target_semaphore(%run_scoped3A : memref<!tpu.dma_semaphore, #tpu.memory_space<semaphore_mem>>)
        tpu.wait_dma2 semaphore(%run_scoped3A : memref<!tpu.dma_semaphore, #tpu.memory_space<semaphore_mem>>) src(%arg2 : memref<20240xf32, #tpu.memory_space<hbm>>) dst(%arg8 : memref<20240xf32, #tpu.memory_space<vmem_shared>>)
        tpu.yield
      }) : () -> ()
    } else {
    }
    %barrier3A = arith.constant 0 : index
    tpu.barrier barrier_id(%barrier3A)
    tpu.enqueue_dma source(%arg8 : memref<20240xf32, #tpu.memory_space<vmem_shared>>) target(%arg5 : memref<20240xf32, #tpu.memory_space<vmem>>) target_semaphore(%arg9 : memref<!tpu.dma_semaphore, #tpu.memory_space<semaphore_mem>>)
    %add3A_15 = arith.constant 5120 : i32
    %add3A_16 = arith.addi %min3A_3, %add3A_15 : i32
    %dma_start3A_17 = arith.constant 0 : i32
    %dma_start3A_18 = arith.constant 5120 : i32
    %dma_start3A_19 = tpu.memref_slice %arg6[%dma_start3A_17, %dma_start3A_18] : memref<2x10112xi32, #tpu.memory_space<vmem>> -> memref<2x4992xi32, #tpu.memory_space<vmem>>
    %dma_start3A_20 = arith.constant 0 : i32
    %dma_start3A_21 = tpu.memref_slice %arg3[%dma_start3A_20, %add3A_16] : memref<2x320000xi32, #tpu.memory_space<hbm>> -> memref<2x4992xi32, #tpu.memory_space<hbm>>
    %dma_start3A_22 = arith.constant 0 : i32
    %dma_start3A_23 = arith.constant 5120 : i32
    %dma_start3A_24 = tpu.memref_slice %arg6[%dma_start3A_22, %dma_start3A_23] : memref<2x10112xi32, #tpu.memory_space<vmem>> -> memref<2x4992xi32, #tpu.memory_space<vmem>>
    %dma_start3A_25 = arith.constant 0 : i32
    %dma_start3A_26 = tpu.memref_slice %arg3[%dma_start3A_25, %add3A_16] : memref<2x320000xi32, #tpu.memory_space<hbm>> -> memref<2x4992xi32, #tpu.memory_space<hbm>>
    tpu.enqueue_dma source(%dma_start3A_26 : memref<2x4992xi32, #tpu.memory_space<hbm>>) target(%dma_start3A_24 : memref<2x4992xi32, #tpu.memory_space<vmem>>) target_semaphore(%arg11 : memref<!tpu.dma_semaphore, #tpu.memory_space<semaphore_mem>>)
    %dma_wait3A = arith.constant 0 : i32
    %dma_wait3A_27 = arith.constant 0 : i32
    %dma_wait3A_28 = tpu.memref_slice %arg6[%dma_wait3A, %dma_wait3A_27] : memref<2x10112xi32, #tpu.memory_space<vmem>> -> memref<2x5120xi32, #tpu.memory_space<vmem>>
    %dma_wait3A_29 = arith.constant 0 : i32
    %dma_wait3A_30 = tpu.memref_slice %arg3[%dma_wait3A_29, %min3A_3] : memref<2x320000xi32, #tpu.memory_space<hbm>> -> memref<2x5120xi32, #tpu.memory_space<hbm>>
    %dma_wait3A_31 = arith.constant 0 : i32
    %dma_wait3A_32 = arith.constant 0 : i32
    %dma_wait3A_33 = tpu.memref_slice %arg6[%dma_wait3A_31, %dma_wait3A_32] : memref<2x10112xi32, #tpu.memory_space<vmem>> -> memref<2x5120xi32, #tpu.memory_space<vmem>>
    %dma_wait3A_34 = arith.constant 0 : i32
    %dma_wait3A_35 = tpu.memref_slice %arg3[%dma_wait3A_34, %min3A_3] : memref<2x320000xi32, #tpu.memory_space<hbm>> -> memref<2x5120xi32, #tpu.memory_space<hbm>>
    tpu.wait_dma2 semaphore(%arg10 : memref<!tpu.dma_semaphore, #tpu.memory_space<semaphore_mem>>) src(%dma_wait3A_35 : memref<2x5120xi32, #tpu.memory_space<hbm>>) dst(%dma_wait3A_33 : memref<2x5120xi32, #tpu.memory_space<vmem>>)
    tpu.wait_dma2 semaphore(%arg9 : memref<!tpu.dma_semaphore, #tpu.memory_space<semaphore_mem>>) src(%arg8 : memref<20240xf32, #tpu.memory_space<vmem_shared>>) dst(%arg5 : memref<20240xf32, #tpu.memory_space<vmem>>)
    %parallel_loop3A = arith.constant 0 : i32
    %parallel_loop3A_36 = arith.constant 5120 : i32
    %parallel_loop3A_37 = arith.constant 16 : i32
    scf.for %parallel_loop3A_89 = %parallel_loop3A to %parallel_loop3A_36 step %parallel_loop3A_37  : i32 {
      %parallel_loop3A_90 = arith.constant 0 : i32
      %parallel_loop3A_91 = arith.index_cast %parallel_loop3A_90 : i32 to index
      %parallel_loop3A_92 = arith.index_cast %parallel_loop3A_89 : i32 to index
      %parallel_loop3A_93 = tpu.vector_load %arg6[%parallel_loop3A_91, %parallel_loop3A_92] {strides = array<i32>} : memref<2x10112xi32, #tpu.memory_space<vmem>>, vector<16xi32>,
      %parallel_loop3A_94 = arith.constant 1 : i32
      %parallel_loop3A_95 = arith.index_cast %parallel_loop3A_94 : i32 to index
      %parallel_loop3A_96 = arith.index_cast %parallel_loop3A_89 : i32 to index
      %parallel_loop3A_97 = tpu.vector_load %arg6[%parallel_loop3A_95, %parallel_loop3A_96] {strides = array<i32>} : memref<2x10112xi32, #tpu.memory_space<vmem>>, vector<16xi32>,
      %parallel_loop3A_98 = tpu.vector_load_idx %arg5[%parallel_loop3A_93] : memref<20240xf32, #tpu.memory_space<vmem>>[vector<16xi32>], vector<16xf32>,
      %parallel_loop3A_99 = arith.constant 10240 : i32
      %parallel_loop3A_100 = vector.broadcast %parallel_loop3A_99 : i32 to vector<16xi32>
      %parallel_loop3A_101 = arith.addi %parallel_loop3A_97, %parallel_loop3A_100 : vector<16xi32>
      %parallel_loop3A_102 = tpu.vector_load_idx %arg5[%parallel_loop3A_101] : memref<20240xf32, #tpu.memory_space<vmem>>[vector<16xi32>], vector<16xf32>,
      %parallel_loop3A_103 = arith.addf %parallel_loop3A_98, %parallel_loop3A_102 : vector<16xf32>
      %parallel_loop3A_104 = arith.index_cast %parallel_loop3A_89 : i32 to index
      %parallel_loop3A_105 = tpu.vector_load %arg7[%parallel_loop3A_104] {strides = array<i32>} : memref<10112xf32, #tpu.memory_space<vmem>>, vector<16xf32>,
      tpu.vector_store %arg7[%parallel_loop3A_104], %parallel_loop3A_103 {strides = array<i32>} : memref<10112xf32, #tpu.memory_space<vmem>>, vector<16xf32>,
    } {sc.loop_unroll_factor = 8 : i64, sc.parallel_access}
    %dma_start3A_38 = arith.constant 0 : i32
    %dma_start3A_39 = arith.constant 0 : i32
    %dma_start3A_40 = tpu.memref_slice %arg7[%dma_start3A_39] : memref<10112xf32, #tpu.memory_space<vmem>> -> memref<5120xf32, #tpu.memory_space<vmem>>
    %dma_start3A_41 = tpu.memref_slice %arg4[%dma_start3A_38, %min3A_3] : memref<1x320000xf32, #tpu.memory_space<hbm>> -> memref<1x5120xf32, #tpu.memory_space<hbm>>
    %dma_start3A_42 = tpu.memref_squeeze %dma_start3A_41 : memref<1x5120xf32, #tpu.memory_space<hbm>> -> memref<5120xf32, #tpu.memory_space<hbm>>
    %dma_start3A_43 = tpu.memref_slice %arg4[%dma_start3A_38, %min3A_3] : memref<1x320000xf32, #tpu.memory_space<hbm>> -> memref<1x5120xf32, #tpu.memory_space<hbm>>
    %dma_start3A_44 = tpu.memref_squeeze %dma_start3A_43 : memref<1x5120xf32, #tpu.memory_space<hbm>> -> memref<5120xf32, #tpu.memory_space<hbm>>
    %dma_start3A_45 = arith.constant 0 : i32
    %dma_start3A_46 = tpu.memref_slice %arg7[%dma_start3A_45] : memref<10112xf32, #tpu.memory_space<vmem>> -> memref<5120xf32, #tpu.memory_space<vmem>>
    tpu.enqueue_dma source(%dma_start3A_46 : memref<5120xf32, #tpu.memory_space<vmem>>) target(%dma_start3A_44 : memref<5120xf32, #tpu.memory_space<hbm>>) target_semaphore(%arg10 : memref<!tpu.dma_semaphore, #tpu.memory_space<semaphore_mem>>)
    %dma_wait3A_47 = arith.constant 0 : i32
    %dma_wait3A_48 = arith.constant 5120 : i32
    %dma_wait3A_49 = tpu.memref_slice %arg6[%dma_wait3A_47, %dma_wait3A_48] : memref<2x10112xi32, #tpu.memory_space<vmem>> -> memref<2x4992xi32, #tpu.memory_space<vmem>>
    %dma_wait3A_50 = arith.constant 0 : i32
    %dma_wait3A_51 = tpu.memref_slice %arg3[%dma_wait3A_50, %add3A_16] : memref<2x320000xi32, #tpu.memory_space<hbm>> -> memref<2x4992xi32, #tpu.memory_space<hbm>>
    %dma_wait3A_52 = arith.constant 0 : i32
    %dma_wait3A_53 = arith.constant 5120 : i32
    %dma_wait3A_54 = tpu.memref_slice %arg6[%dma_wait3A_52, %dma_wait3A_53] : memref<2x10112xi32, #tpu.memory_space<vmem>> -> memref<2x4992xi32, #tpu.memory_space<vmem>>
    %dma_wait3A_55 = arith.constant 0 : i32
    %dma_wait3A_56 = tpu.memref_slice %arg3[%dma_wait3A_55, %add3A_16] : memref<2x320000xi32, #tpu.memory_space<hbm>> -> memref<2x4992xi32, #tpu.memory_space<hbm>>
    tpu.wait_dma2 semaphore(%arg11 : memref<!tpu.dma_semaphore, #tpu.memory_space<semaphore_mem>>) src(%dma_wait3A_56 : memref<2x4992xi32, #tpu.memory_space<hbm>>) dst(%dma_wait3A_54 : memref<2x4992xi32, #tpu.memory_space<vmem>>)
    %parallel_loop3A_57 = arith.constant 5120 : i32
    %parallel_loop3A_58 = arith.constant 10112 : i32
    %parallel_loop3A_59 = arith.constant 16 : i32
    scf.for %parallel_loop3A_89 = %parallel_loop3A_57 to %parallel_loop3A_58 step %parallel_loop3A_59  : i32 {
      %parallel_loop3A_90 = arith.constant 0 : i32
      %parallel_loop3A_91 = arith.index_cast %parallel_loop3A_90 : i32 to index
      %parallel_loop3A_92 = arith.index_cast %parallel_loop3A_89 : i32 to index
      %parallel_loop3A_93 = tpu.vector_load %arg6[%parallel_loop3A_91, %parallel_loop3A_92] {strides = array<i32>} : memref<2x10112xi32, #tpu.memory_space<vmem>>, vector<16xi32>,
      %parallel_loop3A_94 = arith.constant 1 : i32
      %parallel_loop3A_95 = arith.index_cast %parallel_loop3A_94 : i32 to index
      %parallel_loop3A_96 = arith.index_cast %parallel_loop3A_89 : i32 to index
      %parallel_loop3A_97 = tpu.vector_load %arg6[%parallel_loop3A_95, %parallel_loop3A_96] {strides = array<i32>} : memref<2x10112xi32, #tpu.memory_space<vmem>>, vector<16xi32>,
      %parallel_loop3A_98 = tpu.vector_load_idx %arg5[%parallel_loop3A_93] : memref<20240xf32, #tpu.memory_space<vmem>>[vector<16xi32>], vector<16xf32>,
      %parallel_loop3A_99 = arith.constant 10240 : i32
      %parallel_loop3A_100 = vector.broadcast %parallel_loop3A_99 : i32 to vector<16xi32>
      %parallel_loop3A_101 = arith.addi %parallel_loop3A_97, %parallel_loop3A_100 : vector<16xi32>
      %parallel_loop3A_102 = tpu.vector_load_idx %arg5[%parallel_loop3A_101] : memref<20240xf32, #tpu.memory_space<vmem>>[vector<16xi32>], vector<16xf32>,
      %parallel_loop3A_103 = arith.addf %parallel_loop3A_98, %parallel_loop3A_102 : vector<16xf32>
      %parallel_loop3A_104 = arith.index_cast %parallel_loop3A_89 : i32 to index
      %parallel_loop3A_105 = tpu.vector_load %arg7[%parallel_loop3A_104] {strides = array<i32>} : memref<10112xf32, #tpu.memory_space<vmem>>, vector<16xf32>,
      tpu.vector_store %arg7[%parallel_loop3A_104], %parallel_loop3A_103 {strides = array<i32>} : memref<10112xf32, #tpu.memory_space<vmem>>, vector<16xf32>,
    } {sc.loop_unroll_factor = 8 : i64, sc.parallel_access}
    %add3A_60 = arith.constant 5120 : i32
    %add3A_61 = arith.addi %min3A_3, %add3A_60 : i32
    %dma_start3A_62 = arith.constant 0 : i32
    %dma_start3A_63 = arith.constant 5120 : i32
    %dma_start3A_64 = tpu.memref_slice %arg7[%dma_start3A_63] : memref<10112xf32, #tpu.memory_space<vmem>> -> memref<4992xf32, #tpu.memory_space<vmem>>
    %dma_start3A_65 = tpu.memref_slice %arg4[%dma_start3A_62, %add3A_61] : memref<1x320000xf32, #tpu.memory_space<hbm>> -> memref<1x4992xf32, #tpu.memory_space<hbm>>
    %dma_start3A_66 = tpu.memref_squeeze %dma_start3A_65 : memref<1x4992xf32, #tpu.memory_space<hbm>> -> memref<4992xf32, #tpu.memory_space<hbm>>
    %dma_start3A_67 = tpu.memref_slice %arg4[%dma_start3A_62, %add3A_61] : memref<1x320000xf32, #tpu.memory_space<hbm>> -> memref<1x4992xf32, #tpu.memory_space<hbm>>
    %dma_start3A_68 = tpu.memref_squeeze %dma_start3A_67 : memref<1x4992xf32, #tpu.memory_space<hbm>> -> memref<4992xf32, #tpu.memory_space<hbm>>
    %dma_start3A_69 = arith.constant 5120 : i32
    %dma_start3A_70 = tpu.memref_slice %arg7[%dma_start3A_69] : memref<10112xf32, #tpu.memory_space<vmem>> -> memref<4992xf32, #tpu.memory_space<vmem>>
    tpu.enqueue_dma source(%dma_start3A_70 : memref<4992xf32, #tpu.memory_space<vmem>>) target(%dma_start3A_68 : memref<4992xf32, #tpu.memory_space<hbm>>) target_semaphore(%arg11 : memref<!tpu.dma_semaphore, #tpu.memory_space<semaphore_mem>>)
    %dma_wait3A_71 = arith.constant 0 : i32
    %dma_wait3A_72 = arith.constant 0 : i32
    %dma_wait3A_73 = tpu.memref_slice %arg7[%dma_wait3A_72] : memref<10112xf32, #tpu.memory_space<vmem>> -> memref<5120xf32, #tpu.memory_space<vmem>>
    %dma_wait3A_74 = tpu.memref_slice %arg4[%dma_wait3A_71, %min3A_3] : memref<1x320000xf32, #tpu.memory_space<hbm>> -> memref<1x5120xf32, #tpu.memory_space<hbm>>
    %dma_wait3A_75 = tpu.memref_squeeze %dma_wait3A_74 : memref<1x5120xf32, #tpu.memory_space<hbm>> -> memref<5120xf32, #tpu.memory_space<hbm>>
    %dma_wait3A_76 = tpu.memref_slice %arg4[%dma_wait3A_71, %min3A_3] : memref<1x320000xf32, #tpu.memory_space<hbm>> -> memref<1x5120xf32, #tpu.memory_space<hbm>>
    %dma_wait3A_77 = tpu.memref_squeeze %dma_wait3A_76 : memref<1x5120xf32, #tpu.memory_space<hbm>> -> memref<5120xf32, #tpu.memory_space<hbm>>
    %dma_wait3A_78 = arith.constant 0 : i32
    %dma_wait3A_79 = tpu.memref_slice %arg7[%dma_wait3A_78] : memref<10112xf32, #tpu.memory_space<vmem>> -> memref<5120xf32, #tpu.memory_space<vmem>>
    tpu.wait_dma2 semaphore(%arg10 : memref<!tpu.dma_semaphore, #tpu.memory_space<semaphore_mem>>) src(%dma_wait3A_79 : memref<5120xf32, #tpu.memory_space<vmem>>) dst(%dma_wait3A_77 : memref<5120xf32, #tpu.memory_space<hbm>>)
    %dma_wait3A_80 = arith.constant 0 : i32
    %dma_wait3A_81 = arith.constant 5120 : i32
    %dma_wait3A_82 = tpu.memref_slice %arg7[%dma_wait3A_81] : memref<10112xf32, #tpu.memory_space<vmem>> -> memref<4992xf32, #tpu.memory_space<vmem>>
    %dma_wait3A_83 = tpu.memref_slice %arg4[%dma_wait3A_80, %add3A_61] : memref<1x320000xf32, #tpu.memory_space<hbm>> -> memref<1x4992xf32, #tpu.memory_space<hbm>>
    %dma_wait3A_84 = tpu.memref_squeeze %dma_wait3A_83 : memref<1x4992xf32, #tpu.memory_space<hbm>> -> memref<4992xf32, #tpu.memory_space<hbm>>
    %dma_wait3A_85 = tpu.memref_slice %arg4[%dma_wait3A_80, %add3A_61] : memref<1x320000xf32, #tpu.memory_space<hbm>> -> memref<1x4992xf32, #tpu.memory_space<hbm>>
    %dma_wait3A_86 = tpu.memref_squeeze %dma_wait3A_85 : memref<1x4992xf32, #tpu.memory_space<hbm>> -> memref<4992xf32, #tpu.memory_space<hbm>>
    %dma_wait3A_87 = arith.constant 5120 : i32
    %dma_wait3A_88 = tpu.memref_slice %arg7[%dma_wait3A_87] : memref<10112xf32, #tpu.memory_space<vmem>> -> memref<4992xf32, #tpu.memory_space<vmem>>
    tpu.wait_dma2 semaphore(%arg11 : memref<!tpu.dma_semaphore, #tpu.memory_space<semaphore_mem>>) src(%dma_wait3A_88 : memref<4992xf32, #tpu.memory_space<vmem>>) dst(%dma_wait3A_86 : memref<4992xf32, #tpu.memory_space<hbm>>)
    return
  }
}

module attributes {stable_mosaic.version = 14 : i64} {
  func.func @_tc_body(%arg0: memref<10000x128xf32, #tpu.memory_space<vmem>>, %arg1: memref<2x128xf32, #tpu.memory_space<vmem>>, %arg2: memref<1x1xf32, #tpu.memory_space<vmem>>, %arg3: memref<20240xf32, #tpu.memory_space<vmem>>) attributes {dimension_semantics = [], scalar_prefetch = 0 : i64, scratch_operands = 0 : i64, tpu.core_type = #tpu.core_type<tc>} {
    %get3A = arith.constant 0 : index
    %get3A_0 = arith.constant 0 : index
    %get3A_1 = vector.load %arg2[%get3A, %get3A_0] : memref<1x1xf32, #tpu.memory_space<vmem>>, vector<1x1xf32>
    %broadcast_in_dim3A = arith.constant 0.000000e+00 : f32
    %broadcast_in_dim3A_2 = vector.broadcast %broadcast_in_dim3A : f32 to vector<1x1xf32>
    %concatenate3A = tpu.concatenate %get3A_1, %broadcast_in_dim3A_2 in 0 : vector<1x1xf32>, vector<1x1xf32> -> vector<2x1xf32>
    %get3A_3 = arith.constant 0 : index
    %get3A_4 = arith.constant 0 : index
    %get3A_5 = vector.load %arg1[%get3A_3, %get3A_4] : memref<2x128xf32, #tpu.memory_space<vmem>>, vector<2x128xf32>
    %get3A_6 = arith.constant 0 : index
    %get3A_7 = arith.constant 0 : index
    %get3A_8 = vector.load %arg0[%get3A_6, %get3A_7] : memref<10000x128xf32, #tpu.memory_space<vmem>>, vector<10000x128xf32>
    %dot_general3A = arith.constant dense<0.000000e+00> : vector<2x10000xf32>
    %dot_general3A_9 = tpu.matmul %get3A_5, %get3A_8, %dot_general3A {dimension_numbers = #tpu.dot_dimension_numbers<[1], [1], [0], [0], [0, 0, 1, 0], [], []>, transpose_lhs_hint = false} : vector<2x128xf32>, vector<10000x128xf32>, vector<2x10000xf32> -> vector<2x10000xf32>
    %add3A = vector.broadcast %concatenate3A : vector<2x1xf32> to vector<2x10000xf32>
    %add3A_10 = arith.addf %dot_general3A_9, %add3A : vector<2x10000xf32>
    %slice3A = vector.extract_strided_slice %add3A_10 {offsets = [0, 0], sizes = [1, 10000], strides = [1, 1]} : vector<2x10000xf32> to vector<1x10000xf32>
    %reshape3A = vector.shape_cast %slice3A : vector<1x10000xf32> to vector<10000xf32>
    %swap3A = arith.constant 0 : index
    %swap3A_11 = vector.load %arg3[%swap3A] : memref<20240xf32, #tpu.memory_space<vmem>>, vector<10000xf32>
    tpu.vector_store %arg3[%swap3A], %reshape3A {strides = array<i32>} : memref<20240xf32, #tpu.memory_space<vmem>>, vector<10000xf32>,
    %slice3A_12 = vector.extract_strided_slice %add3A_10 {offsets = [1, 0], sizes = [1, 10000], strides = [1, 1]} : vector<2x10000xf32> to vector<1x10000xf32>
    %reshape3A_13 = vector.shape_cast %slice3A_12 : vector<1x10000xf32> to vector<10000xf32>
    %swap3A_14 = arith.constant 10240 : index
    %swap3A_15 = vector.load %arg3[%swap3A_14] : memref<20240xf32, #tpu.memory_space<vmem>>, vector<10000xf32>
    tpu.vector_store %arg3[%swap3A_14], %reshape3A_13 {strides = array<i32>} : memref<20240xf32, #tpu.memory_space<vmem>>, vector<10000xf32>,
    return
  }
}

</mosaic_0001>

<sc_bundles>
// kernel: kernel.4.cloned.1.call-start
scs
__scs_entry_jumppad:
0x0: {  	(pc) =	sbr.rel $0x88, $3  }
0x1: {  	(tag) =	ssettag $0x0;
	lr =	simm.s32 $0x1  }
0x2: {  	[smem:$0x3F9D] =	sst lr;
	_ =	strace $0xD0000000  }
0x3: {  	_ = 	snop  }
0x4: {  	_ = 	snop  }
0x5: {  	_ = 	snop  }
0x6: {  	_ = 	snop  }
0x7: {  	_ = 	snop  }
__scs_overlays_trampoline_lowered:
0x8: {  	[smem:$0x3FAC] =	sst s0  }
0x9: {  	[smem:$0x3FAD] =	sst s1  }
0xa: {  	[smem:$0x3FAE] =	sst s2  }
0xb: {  	[smem:$0x3FAF] =	sst s3  }
0xc: {  	[smem:$0x3FB0] =	sst s4  }
0xd: {  	[smem:$0x3FB1] =	sst s5  }
0xe: {  	[smem:$0x3FB2] =	sst s6  }
0xf: {  	[smem:$0x3FB3] =	sst s7  }
0x10: {  	[smem:$0x3FB4] =	sst s8  }
0x11: {  	[smem:$0x3FB5] =	sst s9;
	s0 =	simm.s32 @!p0 $0x0  }
0x12: {  	s1 =	sld [smem:$0x3F9B];
	s0 =	simm.s32 @p0 $0x1  }
0x13: {  	[smem:$0x3FB6] =	sst s0;
	s0 =	simm.s32 @!p1 $0x0  }
0x14: {  	s2 =	sld [smem:$0x3F9A];
	s0 =	simm.s32 @p1 $0x1  }
0x15: {  	[smem:$0x3FB7] =	sst s0;
	s0 =	simm.s32 @!p2 $0x0  }
0x16: {  	s3 =	sld [smem:$0x3FDB];
	s0 =	simm.s32 @p2 $0x1  }
0x17: {  	s4 =	simm.s32 $0x1BF5;
	[smem:$0x3FB9] =	sst s0  }
0x18: {  	s0 =	sld [smem:$0x3F9C];
	_ =	swait.ge [sflag:s4], $0x0  }
0x19: {  	s7 =	sld [smem:$0x3F9D]  }
0x1a: {  	s8 =	sadd.s32 $0xFFFFE003, lr  }
0x1b: {  	s9 =	sadd.s32 $0xFFFFFEF7, lr;
	s5 =	simm.s32 $0xFFFFFFFF;
	p2 =	slt.u32 s8, $0xFFFFF086  }
0x1c: {  	p1 =	slt.u32 s9, $0xF7A;
	s5 =	simm.s32 @!p2 $0x0  }
0x1d: {  	s5 =	simm.s32 @p1 $0x1;
	p0 =	seq.s32 s7, s2  }
0x1e: {  	s7 =	smul.u32 @!p0 $0xF7A, s2;
	p2 =	seq.s32 @!p0 s5, $0x0  }
0x1f: {  	s9 =	smul.u32 $0xF7A, s1;
	s8 =	simm.s32 @!p0 $0x1BF5;
	p2 =	por !p2, p0  }
0x20: {  	[sflag:s8] =	ssyncset.s32 @!p0 $0xFFFFF086;
	s6 =	sadd.s32 @!p0 s3, s7;
	s7 =	simm.s32 @!p0 $0x108  }
0x21: {  	s3 =	sadd.s32 s3, s9;
	s6 =	sadd.s32 @!p0 $0x88, s6;
	s7 =	simm.s32 @p2 $0x1082  }
0x22: {  	[simem:s7], [sflag:s8] =	dma.local @!p0 [hbm:s6], $0xF7A  }
0x23: {  	s9 =	sor.u32 $0xD0000000, s2;
	s6 =	simm.s32 $0x108;
	_ =	swait.ge @!p0 [sflag:s8], $0x0  }
0x24: {  	s3 =	sadd.s32 $0x88, s3;
	s6 =	simm.s32 @!p1 $0x1082;
	[sflag:s4] =	ssyncset.s32 $0xFFFFF086  }
0x25: {  	[simem:s6], [sflag:s4] =	dma.local [hbm:s3], $0xF7A  }
0x26: {  	[smem:$0x3F9D] =	sst s1;
	(tag) =	ssettag s2;
	_ =	strace s9  }
0x27: {  	s1 =	sld [smem:$0x3FAD]  }
0x28: {  	s2 =	sld [smem:$0x3FAE]  }
0x29: {  	s4 =	sld [smem:$0x3FB0]  }
0x2a: {  	p0 =	seq.s32 s5, $0x0;
	s5 =	sld [smem:$0x3FB1]  }
0x2b: {  	s6 =	sld [smem:$0x3FB2]  }
0x2c: {  	s7 =	sld [smem:$0x3FB3]  }
0x2d: {  	s3 =	simm.s32 $0x108;
	s8 =	sld [smem:$0x3FB4]  }
0x2e: {  	s3 =	simm.s32 @!p0 $0x1082;
	s9 =	sld [smem:$0x3FB5]  }
0x2f: {  	lr =	sadd.s32 s0, s3;
	s0 =	sld [smem:$0x3FAC]  }
0x30: {  	s3 =	sld [smem:$0x3FAF]  }
0x31: {  	[smem:$0x3FB8] =	sst s10  }
0x32: {  	s10 =	sld [smem:$0x3FB6];
	_ =	sdelay $0x3  }
0x33: {  	p0 =	seq.s32 s10, $0x1;
	s10 =	sld [smem:$0x3FB8];
	_ =	sdelay $0x3  }
0x34: {  	[smem:$0x3FB8] =	sst s10  }
0x35: {  	s10 =	sld [smem:$0x3FB7];
	_ =	sdelay $0x3  }
0x36: {  	p1 =	seq.s32 s10, $0x1;
	s10 =	sld [smem:$0x3FB8];
	_ =	sdelay $0x3  }
0x37: {  	[smem:$0x3FB8] =	sst s10  }
0x38: {  	s10 =	sld [smem:$0x3FB9]  }
0x39: {  	_ = 	snop;
	(pc) =	sbr.ind lr, $3  }
0x3a: {  	_ = 	snop  }
0x3b: {  	_ = 	snop  }
0x3c: {  	p2 =	seq.s32 s10, $0x1;
	s10 =	sld [smem:$0x3FB8]  }
0x3d: {  	_ =	shalt  }
0x3e: {  	_ =	shalt  }
0x3f: {  	_ =	shalt  }
0x40: {  	_ =	shalt  }
0x41: {  	_ =	shalt  }
0x42: {  	_ =	shalt  }
0x43: {  	_ =	shalt  }
0x44: {  	_ =	shalt  }
0x45: {  	_ =	shalt  }
0x46: {  	_ =	shalt  }
0x47: {  	_ =	shalt  }
0x48: {  	_ =	shalt  }
0x49: {  	_ =	shalt  }
0x4a: {  	_ =	shalt  }
0x4b: {  	_ =	shalt  }
0x4c: {  	_ =	shalt  }
0x4d: {  	_ =	shalt  }
0x4e: {  	_ =	shalt  }
0x4f: {  	_ =	shalt  }
0x50: {  	_ =	shalt  }
0x51: {  	_ =	shalt  }
0x52: {  	_ =	shalt  }
0x53: {  	_ =	shalt  }
0x54: {  	_ =	shalt  }
0x55: {  	_ =	shalt  }
0x56: {  	_ =	shalt  }
0x57: {  	_ =	shalt  }
0x58: {  	_ =	shalt  }
0x59: {  	_ =	shalt  }
0x5a: {  	_ =	shalt  }
0x5b: {  	_ =	shalt  }
0x5c: {  	_ =	shalt  }
0x5d: {  	_ =	shalt  }
0x5e: {  	_ =	shalt  }
0x5f: {  	_ =	shalt  }
0x60: {  	_ =	shalt  }
0x61: {  	_ =	shalt  }
0x62: {  	_ =	shalt  }
0x63: {  	_ =	shalt  }
0x64: {  	_ =	shalt  }
0x65: {  	_ =	shalt  }
0x66: {  	_ =	shalt  }
0x67: {  	_ =	shalt  }
0x68: {  	_ =	shalt  }
0x69: {  	_ =	shalt  }
0x6a: {  	_ =	shalt  }
0x6b: {  	_ =	shalt  }
0x6c: {  	_ =	shalt  }
0x6d: {  	_ =	shalt  }
0x6e: {  	_ =	shalt  }
0x6f: {  	_ =	shalt  }
0x70: {  	_ =	shalt  }
0x71: {  	_ =	shalt  }
0x72: {  	_ =	shalt  }
0x73: {  	_ =	shalt  }
0x74: {  	_ =	shalt  }
0x75: {  	_ =	shalt  }
0x76: {  	_ =	shalt  }
0x77: {  	_ =	shalt  }
0x78: {  	_ =	shalt  }
0x79: {  	_ =	shalt  }
0x7a: {  	_ =	shalt  }
0x7b: {  	_ =	shalt  }
0x7c: {  	_ =	shalt  }
0x7d: {  	_ =	shalt  }
0x7e: {  	_ =	shalt  }
0x7f: {  	_ =	shalt  }
0x80: {  	_ =	shalt  }
0x81: {  	_ =	shalt  }
0x82: {  	_ =	shalt  }
0x83: {  	_ =	shalt  }
0x84: {  	_ =	shalt  }
0x85: {  	_ =	shalt  }
0x86: {  	_ =	shalt  }
0x87: {  	_ =	shalt  }
.Lfunc_end0:
.L_simem_size_0:
called_computation_lowered:
.L_overlay_start_0:
0x88: {  	s2 =	sld [smem:$0x3FD9]  }
0x89: {  	s3 =	sld [smem:$0x3FFE];
	_ =	sdelay $0x1  }
0x8a: {  	s1 =	srdreg.scid  }
0x8b: {  	s0 =	sand.u32 $0x1, s1  }
0x8c: {  	s17 =	sshll.u32 s0, $0xA;
	s2 =	sadd.s32 s3, s2  }
0x8d: {  	s2 =	sadd.s32 s2, s17  }
0x8e: {  	[smem:$0x3FC4] =	sst s2  }
0x8f: {  	_ = 	snop  }
0x90: {  	s2 =	sld [smem:$0x3FC8]  }
0x91: {  	s18 =	sld [smem:$0x3FD0];
	(tm) =	ssettm $0x1  }
0x92: {  	s4 =	sld [smem:$0x3FFB];
	_ =	sdelay $0x3  }
0x93: {  	_ =	strace s4  }
0x94: {  	s4 =	sld [smem:$0x3FFC];
	_ =	sdelay $0x3  }
0x95: {  	_ =	strace s4  }
0x96: {  	s4 =	sld [smem:$0x3FFD];
	_ =	sdelay $0x3  }
0x97: {  	_ =	strace s4  }
0x98: {  	_ =	strace $0x8FFFFFFF  }
0x99: {  	s19 =	sld [smem:$0x3FDB];
	_ =	sdelay $0x1  }
0x9a: {  	s5 =	simm.s32 $_scs_section_size  }
0x9b: {  	s6 =	simm.s32 $_size__tile_overlayer_lowered;
	s7 =	simm.s32 $_tile_overlayer_lowered  }
0x9c: {  	s22 =	simm.s32 $0x1BFF;
	s21 =	sshll.u32 s7, $0x1;
	s4 =	sadd.s32 s5, s19  }
0x9d: {  	s8 =	simm.s32 $0x0;
	s20 =	sshll.u32 s6, $0x1;
	s6 =	sadd.s32 s21, s4  }
0x9e: {  	[timem:s8], [sflag:s22] =	dma.local [hbm:s6], s20  }
0x9f: {  	_ =	swait.ge [sflag:s22], s20  }
0xa0: {  	s5 =	ssub.s32 $0x0, s20;
	[sflag:s22] =	ssyncset.done $0x0  }
0xa1: {  	[sflag:s22] =	ssyncadd.s32 s5;
	_ =	sdelay $0x1  }
0xa2: {  	s23 =	simm.s32 $0x1B8B  }
0xa3: {  	_ =	swait.ge [sflag:s23], $0x1  }
0xa4: {  	[sflag:s23] =	ssyncset.done $0x0  }
0xa5: {  	s25 =	simm.s32 $0x1B8E;
	s24 =	sld [smem:$0x3FFE];
	[sflag:s23] =	ssyncadd.s32 $0xFFFFFFFF  }
0xa6: {  	s26 =	simm.s32 $execute0_lowered;
	[smem:$0x3FD2] =	sst s25  }
0xa7: {  	s6 =	sshll.u32 s26, $0x1;
	_ =	strace $0x80000046;
	[dreg:$0x1] =	wrdreg $0xFFFFFFFF  }
0xa8: {  	s28 =	simm.s32 $_size_execute0_lowered;
	s4 =	sadd.s32 s4, s6;
	[dreg:$0x0] =	wrdreg $0x0  }
0xa9: {  	s6 =	sshll.u32 s28, $0x1;
	[dreg:$0x2] =	wrdreg s4  }
0xaa: {  	[dreg:$0x3] =	wrdreg s6  }
0xab: {  	[dreg:$0x4] =	wrdreg $0xC0  }
0xac: {  	_ =	task [dreg:s8], $0x5FFFF  }
0xad: {  	[dreg:$0x1] =	wrdreg $0xFFFFFFFF  }
0xae: {  	[dreg:$0x0] =	wrdreg $0x60  }
0xaf: {  	[dreg:$0x2] =	wrdreg s24  }
0xb0: {  	[dreg:$0x3] =	wrdreg s2  }
0xb1: {  	[dreg:$0x4] =	wrdreg s18  }
0xb2: {  	[dreg:$0x5] =	wrdreg $0xC6000  }
0xb3: {  	[dreg:$0x6] =	wrdreg $0x9  }
0xb4: {  	_ =	task.clear_ibuf [dreg:s8], $0x7FFFF;
	_ =	strace $0x90000046  }
0xb5: {  	s29 =	simm.s32 $0x9;
	_ =	strace $0x80000048  }
0xb6: {  	_ =	swait.ge [sflag:s29], $0x1  }
0xb7: {  	[sflag:s29] =	ssyncadd.s32 $0xFFFFFFFF  }
0xb8: {  	_ =	strace $0x90000048  }
0xb9: {  	_ =	sfence  }
0xba: {  	s30 =	sld [smem:$0x0];
	_ =	sdelay $0x2  }
0xbb: {  	s31 =	sshll.u32 s1, $0xD;
	s1 =	sshrl.u32 s1, $0x2  }
0xbc: {  	s3 =	sand.u32 $0x4000, s31;
	s1 =	sadd.s32 s1, s30  }
0xbd: {  	s0 =	sor.u32 s3, s0;
	s1 =	sshll.u32 s1, $0x11  }
0xbe: {  	s0 =	sor.u32 s1, s0  }
0xbf: {  	s0 =	sadd.s32 $0x8F2B, s0  }
0xc0: {  	[sflag:s0] =	ssyncadd.remote.s32 $0x1  }
0xc1: {  	_ =	sfence.sel $0xFFFF  }
0xc2: {  	[dreg:$0x0] =	wrdreg $0xFFFFFFFF;
	(pc) =	sbr.abs _section_cstart, $3  }
0xc3: {  	[dreg:$0x1] =	wrdreg $0xFFFFFFFF  }
0xc4: {  	_ =	task.clear_ibuf [dreg:s8], $0x2FFFF;
	_ =	strace $0x9FFFFFFF  }
0xc5: {  	(tm) =	ssettm $0x7FFFFFFF  }
tec
execute0_lowered:
.L_overlay_start_1:
0x0: {  	(tag) =	ssettag $0x1  }
0x1: {  	s3 =	rddreg [dreg:$0x0]  }
0x2: {  	s5 =	rddreg [dreg:$0x1]  }
0x3: {  	s7 =	rddreg [dreg:$0x2];
	s0 =	srdreg.scid  }
0x4: {  	s9 =	stileid.u32;
	s1 =	rddreg [dreg:$0x3]  }
0x5: {  	s2 =	simm.s32 $0x0;
	s12 =	simm.s32 $0x2;
	s13 =	simm.s32 $0x1  }
0x6: {  	s14 =	simm.s32 $0x9E80;
	s15 =	simm.s32 $0x3;
	s16 =	simm.s32 $0xB280  }
0x7: {  	s4 =	sand.u32 $0x1, s0;
	s6 =	sshll.u32 s9, $0x1;
	s0 =	rddreg [dreg:$0x4]  }
0x8: {  	s17 =	simm.s32 $0x0;
	[smem:$0x7FF] =	sst s2;
	s6 =	sor.u32 s4, s6  }
0x9: {  	s3 =	sadd.s32 $0xA00, s3;
	s4 =	ssub.s32 $0x2, s4;
	s6 =	smul.u32 $0x2780, s6  }
0xa: {  	p0 =	sne.s32 s9, $0x0;
	s9 =	simm.s32 $0x4F80;
	s8 =	sshrl.u32 s4, $0x1  }
0xb: {  	_ =	strace $0x80000047;
	s8 =	ssub.s32 s4, s8;
	s6 =	smin.u32 s6, $0x4BA80  }
0xc: {  	s8 =	smax.u32 s8, $0x1;
	s31 =	sshrl.u32 s6, $0x2;
	s10 =	sadd.s32 $0x1400, s6  }
0xd: {  	s6 =	sshrl.u32 s6, $0x3;
	s4 =	sadd.s32 s5, s31;
	s11 =	sshrl.u32 s10, $0x2  }
0xe: {  	s6 =	sadd.s32 s7, s6;
	s10 =	sshrl.u32 s10, $0x3;
	s5 =	sadd.s32 s5, s11  }
0xf: {  	s7 =	sadd.s32 s7, s10;
	s10 =	sshrl.u32 @!p0 s1, $0x3;
	s11 =	simm.s32 $0x7780  }
.LBB2_1:
0x10: {  	[tilespmem:s9], [sflag:$0x2] =	stream.linear.gather [hbm4b:s4+s2], $0x2800, $0x38;
	[tilespmem:$0xCAF8] =	vst v63  }
0x11: {  	s18 =	simm.s32 @!p0 $0x1C04  }
0x12: {  	[spmem:s10], [sflag:s18] =	dma.local @!p0 [hbm:s3], $0x9F0  }
0x13: {  	s18 =	simm.s32 @!p0 $0x4  }
0x14: {  	_ =	swait.ge @!p0 [sflag:s18], $0x9F0  }
0x15: {  	[sflag:s18] =	ssyncset.done @!p0 $0x0  }
0x16: {  	[sflag:s18] =	ssyncadd.s32 @!p0 $0xFFFFF610  }
0x17: {  	[bflag:$0x0] =	sbarrier.arrive $0xFFFF  }
0x18: {  	[tilespmem:s2], [sflag:$0x1] =	stream.linear.gather [spmem:s1], $0x4F80, $0x38;
	[tilespmem:$0xCAF8] =	vst v63  }
0x19: {  	_ = 	snop  }
0x1a: {  	[tilespmem:s11], [sflag:$0x3] =	stream.linear.gather [hbm4b:s5+s2], $0x2700, $0x38;
	[tilespmem:$0xCAF8] =	vst v63  }
0x1b: {  	_ =	swait.ge [sflag:s12], $0x2800  }
0x1c: {  	[sflag:s12] =	ssyncset.done $0x0  }
0x1d: {  	[sflag:s12] =	ssyncadd.s32 $0xFFFFD800  }
0x1e: {  	_ =	swait.ge [sflag:s13], $0x4F80  }
0x1f: {  	[sflag:s13] =	ssyncset.done $0x0  }
0x20: {  	s31 =	simm.s32 $0x5000;
	[sflag:s13] =	ssyncadd.s32 $0xFFFFB080  }
0x21: {  	v0 =	vld [tilespmem:s31+$0x70]  }
0x22: {  	v1 =	vld [tilespmem:s31+$0xFFFFFFF0]  }
0x23: {  	v2 =	vld [tilespmem:s31+$0x0]  }
0x24: {  	v3 =	vld [tilespmem:s31+$0x10]  }
0x25: {  	v4 =	vld [tilespmem:s31+$0x20]  }
0x26: {  	v5 =	vld [tilespmem:s31+$0x30]  }
0x27: {  	v6 =	vld [tilespmem:s31+$0x40]  }
0x28: {  	v7 =	vld [tilespmem:s31+$0x50]  }
0x29: {  	v8 =	vld [tilespmem:s31+$0x60]  }
0x2a: {  	v10 =	vld [tilespmem:s31+$0xFFFFFFA0]  }
0x2b: {  	v9 =	vld [tilespmem:s31+$0xFFFFFF90]  }
0x2c: {  	v14 =	vld [tilespmem:s31+$0xFFFFFFB0]  }
0x2d: {  	v15 =	vld [tilespmem:s31+$0xFFFFFFC0]  }
0x2e: {  	v11 =	vld [tilespmem:s31+$0xFFFFFF80];
	v0 =	vadd.s32 $0x2800, v0  }
0x2f: {  	v12 =	vld.idx.msk [tilespmem:v1+s2+$0x0], $0xffff;
	v1 =	vadd.s32 $0x2800, v3  }
0x30: {  	v16 =	vld [tilespmem:s31+$0xFFFFFFD0];
	v3 =	vadd.s32 $0x2800, v5  }
0x31: {  	v17 =	vld [tilespmem:s31+$0xFFFFFFE0];
	v7 =	vadd.s32 $0x2800, v7  }
0x32: {  	v10 =	vld.idx.msk [tilespmem:v10+s2+$0x0], $0xffff  }
0x33: {  	v13 =	vld.idx.msk [tilespmem:v0+s2+$0x0], $0xffff  }
0x34: {  	v5 =	vld.idx.msk [tilespmem:v1+s2+$0x0], $0xffff  }
0x35: {  	v0 =	vadd.s32 $0x2800, v2;
	v3 =	vld.idx.msk [tilespmem:v3+s2+$0x0], $0xffff  }
0x36: {  	v2 =	vadd.s32 $0x2800, v4;
	v1 =	vld.idx.msk [tilespmem:v7+s2+$0x0], $0xffff  }
0x37: {  	v6 =	vadd.s32 $0x2800, v6;
	v7 =	vld.idx.msk [tilespmem:v11+s2+$0x0], $0xffff  }
0x38: {  	v11 =	vld.idx.msk [tilespmem:v9+s2+$0x0], $0xffff  }
0x39: {  	v9 =	vld.idx.msk [tilespmem:v14+s2+$0x0], $0xffff  }
0x3a: {  	v18 =	vld.idx.msk [tilespmem:v0+s2+$0x0], $0xffff;
	v0 =	vadd.s32 $0x2800, v8  }
0x3b: {  	v4 =	vld.idx.msk [tilespmem:v2+s2+$0x0], $0xffff  }
0x3c: {  	v2 =	vld.idx.msk [tilespmem:v6+s2+$0x0], $0xffff  }
0x3d: {  	v8 =	vld.idx.msk [tilespmem:v15+s2+$0x0], $0xffff  }
0x3e: {  	v12 =	vadd.f32 v13, v12;
	v6 =	vld.idx.msk [tilespmem:v16+s2+$0x0], $0xffff  }
0x3f: {  	s18 =	simm.s32 $0x9EC0;
	v0 =	vld.idx.msk [tilespmem:v0+s2+$0x0], $0xffff  }
0x40: {  	s19 =	simm.s32 $0x0;
	s20 =	simm.s32 $0x5100;
	[tilespmem:s18+$0x30] =	vst v12;
	v12 =	vadd.f32 v18, v7;
	v7 =	vld.idx.msk [tilespmem:v17+s2+$0x0], $0xffff  }
.LBB2_2:
0x41: {  	v13 =	vld [tilespmem:s20+$0x70];
	s19 =	sadd.s32 $0x80, s19;
	v5 =	vadd.f32 v5, v11  }
0x42: {  	v4 =	vadd.f32 v4, v10;
	v11 =	vld [tilespmem:s20+$0xFFFFFFF0];
	p1 =	slt.u32 s19, $0x1380;
	[tilespmem:s18+$0xFFFFFFC0] =	vst v12  }
0x43: {  	v3 =	vadd.f32 v3, v9;
	v10 =	vld [tilespmem:s20+$0x0];
	[tilespmem:s18+$0xFFFFFFD0] =	vst v5  }
0x44: {  	v2 =	vadd.f32 v2, v8;
	v5 =	vld [tilespmem:s20+$0x10];
	[tilespmem:s18+$0xFFFFFFE0] =	vst v4  }
0x45: {  	v1 =	vadd.f32 v1, v6;
	v4 =	vld [tilespmem:s20+$0x20];
	[tilespmem:s18+$0xFFFFFFF0] =	vst v3  }
0x46: {  	v0 =	vadd.f32 v0, v7;
	v3 =	vld [tilespmem:s20+$0x30];
	v6 =	vadd.s32 $0x2800, v13;
	[tilespmem:s18+$0x0] =	vst v2  }
0x47: {  	v2 =	vld [tilespmem:s20+$0x40];
	[tilespmem:s18+$0x10] =	vst v1  }
0x48: {  	v1 =	vadd.s32 $0x2800, v10;
	v7 =	vld [tilespmem:s20+$0x50];
	[tilespmem:s18+$0x20] =	vst v0  }
0x49: {  	v0 =	vadd.s32 $0x2800, v5;
	v5 =	vld [tilespmem:s20+$0x60]  }
0x4a: {  	v4 =	vadd.s32 $0x2800, v4;
	v8 =	vld.idx.msk [tilespmem:v11+s2+$0x0], $0xffff  }
0x4b: {  	v3 =	vadd.s32 $0x2800, v3;
	v6 =	vld.idx.msk [tilespmem:v6+s2+$0x0], $0xffff  }
0x4c: {  	v9 =	vld [tilespmem:s20+$0xFFFFFF90];
	v2 =	vadd.s32 $0x2800, v2  }
0x4d: {  	v10 =	vld [tilespmem:s20+$0xFFFFFFA0];
	v7 =	vadd.s32 $0x2800, v7  }
0x4e: {  	v12 =	vld [tilespmem:s20+$0xFFFFFFB0];
	v11 =	vadd.s32 $0x2800, v5  }
0x4f: {  	v13 =	vld [tilespmem:s20+$0xFFFFFFC0]  }
0x50: {  	v14 =	vld [tilespmem:s20+$0xFFFFFFD0]  }
0x51: {  	v5 =	vadd.f32 v6, v8;
	v15 =	vld [tilespmem:s20+$0xFFFFFFE0]  }
0x52: {  	s18 =	sadd.s32 $0x80, s18;
	v6 =	vld [tilespmem:s20+$0xFFFFFF80]  }
0x53: {  	v16 =	vld.idx.msk [tilespmem:v1+s2+$0x0], $0xffff;
	[tilespmem:s18+$0x30] =	vst v5  }
0x54: {  	v5 =	vld.idx.msk [tilespmem:v0+s2+$0x0], $0xffff  }
0x55: {  	v4 =	vld.idx.msk [tilespmem:v4+s2+$0x0], $0xffff  }
0x56: {  	v3 =	vld.idx.msk [tilespmem:v3+s2+$0x0], $0xffff  }
0x57: {  	v2 =	vld.idx.msk [tilespmem:v2+s2+$0x0], $0xffff  }
0x58: {  	v1 =	vld.idx.msk [tilespmem:v7+s2+$0x0], $0xffff  }
0x59: {  	v0 =	vld.idx.msk [tilespmem:v11+s2+$0x0], $0xffff  }
0x5a: {  	v7 =	vld.idx.msk [tilespmem:v6+s2+$0x0], $0xffff  }
0x5b: {  	v11 =	vld.idx.msk [tilespmem:v9+s2+$0x0], $0xffff  }
.Ltmp0:
0x5c: {  	v10 =	vld.idx.msk [tilespmem:v10+s2+$0x0], $0xffff;
	(pc) =	sbr.rel @p1 .LBB2_2-.Ltmp0, $4  }
0x5d: {  	v9 =	vld.idx.msk [tilespmem:v12+s2+$0x0], $0xffff  }
0x5e: {  	v8 =	vld.idx.msk [tilespmem:v13+s2+$0x0], $0xffff  }
0x5f: {  	v6 =	vld.idx.msk [tilespmem:v14+s2+$0x0], $0xffff  }
0x60: {  	s20 =	sadd.s32 $0x100, s20;
	v12 =	vadd.f32 v16, v7;
	v7 =	vld.idx.msk [tilespmem:v15+s2+$0x0], $0xffff  }
0x61: {  	v5 =	vadd.f32 v5, v11  }
0x62: {  	v4 =	vadd.f32 v4, v10;
	[tilespmem:s18+$0xFFFFFFC0] =	vst v12  }
0x63: {  	v3 =	vadd.f32 v3, v9;
	[tilespmem:s18+$0xFFFFFFD0] =	vst v5  }
0x64: {  	[tilespmem:s18+$0xFFFFFFE0] =	vst v4;
	v2 =	vadd.f32 v2, v8  }
0x65: {  	[tilespmem:s18+$0xFFFFFFF0] =	vst v3;
	v1 =	vadd.f32 v1, v6  }
0x66: {  	[tilespmem:s18+$0x0] =	vst v2;
	v0 =	vadd.f32 v0, v7  }
0x67: {  	[tilespmem:s18+$0x10] =	vst v1  }
0x68: {  	[tilespmem:s18+$0x20] =	vst v0  }
0x69: {  	[hbm4b:s6+s2] =	stream.linear.scatter [tilespmem:s14], [sflag:$0x2], $0x1400, $0x38;
	[tilespmem:$0xCAF8] =	vst v63  }
0x6a: {  	_ =	swait.ge [sflag:s15], $0x2700  }
0x6b: {  	[sflag:s15] =	ssyncset.done $0x0  }
0x6c: {  	s31 =	simm.s32 $0x7870;
	[sflag:s15] =	ssyncadd.s32 $0xFFFFD900  }
0x6d: {  	v0 =	vld [tilespmem:s31+$0x0]  }
0x6e: {  	v1 =	vld [tilespmem:s31+$0xFFFFFF80]  }
0x6f: {  	v2 =	vld [tilespmem:s31+$0xFFFFFF90]  }
0x70: {  	v3 =	vld [tilespmem:s31+$0xFFFFFFA0]  }
0x71: {  	v4 =	vld [tilespmem:s31+$0xFFFFFFB0]  }
0x72: {  	v5 =	vld [tilespmem:s31+$0xFFFFFFC0]  }
0x73: {  	v6 =	vld [tilespmem:s31+$0xFFFFFFD0]  }
0x74: {  	v7 =	vld [tilespmem:s31+$0xFFFFFFE0]  }
0x75: {  	v8 =	vld [tilespmem:s31+$0xFFFFFFF0]  }
0x76: {  	v10 =	vld [tilespmem:s31+$0xFFFFFF30]  }
0x77: {  	v9 =	vld [tilespmem:s31+$0xFFFFFF20]  }
0x78: {  	v14 =	vld [tilespmem:s31+$0xFFFFFF40]  }
0x79: {  	v15 =	vld [tilespmem:s31+$0xFFFFFF50]  }
0x7a: {  	v11 =	vld [tilespmem:s31+$0xFFFFFF10];
	v0 =	vadd.s32 $0x2800, v0  }
0x7b: {  	v12 =	vld.idx.msk [tilespmem:v1+s2+$0x0], $0xffff;
	v1 =	vadd.s32 $0x2800, v3  }
0x7c: {  	v16 =	vld [tilespmem:s31+$0xFFFFFF60];
	v3 =	vadd.s32 $0x2800, v5  }
0x7d: {  	v17 =	vld [tilespmem:s31+$0xFFFFFF70];
	v7 =	vadd.s32 $0x2800, v7  }
0x7e: {  	v10 =	vld.idx.msk [tilespmem:v10+s2+$0x0], $0xffff  }
0x7f: {  	v13 =	vld.idx.msk [tilespmem:v0+s2+$0x0], $0xffff  }
0x80: {  	v5 =	vld.idx.msk [tilespmem:v1+s2+$0x0], $0xffff  }
0x81: {  	v0 =	vadd.s32 $0x2800, v2;
	v3 =	vld.idx.msk [tilespmem:v3+s2+$0x0], $0xffff  }
0x82: {  	v2 =	vadd.s32 $0x2800, v4;
	v1 =	vld.idx.msk [tilespmem:v7+s2+$0x0], $0xffff  }
0x83: {  	v6 =	vadd.s32 $0x2800, v6;
	v7 =	vld.idx.msk [tilespmem:v11+s2+$0x0], $0xffff  }
0x84: {  	v11 =	vld.idx.msk [tilespmem:v9+s2+$0x0], $0xffff  }
0x85: {  	v9 =	vld.idx.msk [tilespmem:v14+s2+$0x0], $0xffff  }
0x86: {  	v18 =	vld.idx.msk [tilespmem:v0+s2+$0x0], $0xffff;
	v0 =	vadd.s32 $0x2800, v8  }
0x87: {  	v4 =	vld.idx.msk [tilespmem:v2+s2+$0x0], $0xffff  }
0x88: {  	v2 =	vld.idx.msk [tilespmem:v6+s2+$0x0], $0xffff  }
0x89: {  	v8 =	vld.idx.msk [tilespmem:v15+s2+$0x0], $0xffff  }
0x8a: {  	v12 =	vadd.f32 v13, v12;
	v6 =	vld.idx.msk [tilespmem:v16+s2+$0x0], $0xffff  }
0x8b: {  	s18 =	simm.s32 $0xB2F0;
	v0 =	vld.idx.msk [tilespmem:v0+s2+$0x0], $0xffff  }
0x8c: {  	s19 =	simm.s32 $0x1400;
	s20 =	simm.s32 $0x7970;
	[tilespmem:s18+$0x0] =	vst v12;
	v12 =	vadd.f32 v18, v7;
	v7 =	vld.idx.msk [tilespmem:v17+s2+$0x0], $0xffff  }
.LBB2_4:
0x8d: {  	v13 =	vld [tilespmem:s20+$0x0];
	s19 =	sadd.s32 $0x80, s19;
	v5 =	vadd.f32 v5, v11  }
0x8e: {  	v4 =	vadd.f32 v4, v10;
	v11 =	vld [tilespmem:s20+$0xFFFFFF80];
	p1 =	slt.u32 s19, $0x2700;
	[tilespmem:s18+$0xFFFFFF90] =	vst v12  }
0x8f: {  	v3 =	vadd.f32 v3, v9;
	v10 =	vld [tilespmem:s20+$0xFFFFFF90];
	[tilespmem:s18+$0xFFFFFFA0] =	vst v5  }
0x90: {  	v2 =	vadd.f32 v2, v8;
	v5 =	vld [tilespmem:s20+$0xFFFFFFA0];
	[tilespmem:s18+$0xFFFFFFB0] =	vst v4  }
0x91: {  	v1 =	vadd.f32 v1, v6;
	v4 =	vld [tilespmem:s20+$0xFFFFFFB0];
	[tilespmem:s18+$0xFFFFFFC0] =	vst v3  }
0x92: {  	v0 =	vadd.f32 v0, v7;
	v3 =	vld [tilespmem:s20+$0xFFFFFFC0];
	v6 =	vadd.s32 $0x2800, v13;
	[tilespmem:s18+$0xFFFFFFD0] =	vst v2  }
0x93: {  	v2 =	vld [tilespmem:s20+$0xFFFFFFD0];
	[tilespmem:s18+$0xFFFFFFE0] =	vst v1  }
0x94: {  	v1 =	vadd.s32 $0x2800, v10;
	v7 =	vld [tilespmem:s20+$0xFFFFFFE0];
	[tilespmem:s18+$0xFFFFFFF0] =	vst v0  }
0x95: {  	v0 =	vadd.s32 $0x2800, v5;
	v5 =	vld [tilespmem:s20+$0xFFFFFFF0]  }
0x96: {  	v4 =	vadd.s32 $0x2800, v4;
	v8 =	vld.idx.msk [tilespmem:v11+s2+$0x0], $0xffff  }
0x97: {  	v3 =	vadd.s32 $0x2800, v3;
	v6 =	vld.idx.msk [tilespmem:v6+s2+$0x0], $0xffff  }
0x98: {  	v9 =	vld [tilespmem:s20+$0xFFFFFF20];
	v2 =	vadd.s32 $0x2800, v2  }
0x99: {  	v10 =	vld [tilespmem:s20+$0xFFFFFF30];
	v7 =	vadd.s32 $0x2800, v7  }
0x9a: {  	v12 =	vld [tilespmem:s20+$0xFFFFFF40];
	v11 =	vadd.s32 $0x2800, v5  }
0x9b: {  	v13 =	vld [tilespmem:s20+$0xFFFFFF50]  }
0x9c: {  	v14 =	vld [tilespmem:s20+$0xFFFFFF60]  }
0x9d: {  	v5 =	vadd.f32 v6, v8;
	v15 =	vld [tilespmem:s20+$0xFFFFFF70]  }
0x9e: {  	s18 =	sadd.s32 $0x80, s18;
	v6 =	vld [tilespmem:s20+$0xFFFFFF10]  }
0x9f: {  	v16 =	vld.idx.msk [tilespmem:v1+s2+$0x0], $0xffff;
	[tilespmem:s18+$0x0] =	vst v5  }
0xa0: {  	v5 =	vld.idx.msk [tilespmem:v0+s2+$0x0], $0xffff  }
0xa1: {  	v4 =	vld.idx.msk [tilespmem:v4+s2+$0x0], $0xffff  }
0xa2: {  	v3 =	vld.idx.msk [tilespmem:v3+s2+$0x0], $0xffff  }
0xa3: {  	v2 =	vld.idx.msk [tilespmem:v2+s2+$0x0], $0xffff  }
0xa4: {  	v1 =	vld.idx.msk [tilespmem:v7+s2+$0x0], $0xffff  }
0xa5: {  	v0 =	vld.idx.msk [tilespmem:v11+s2+$0x0], $0xffff  }
0xa6: {  	v7 =	vld.idx.msk [tilespmem:v6+s2+$0x0], $0xffff  }
0xa7: {  	v11 =	vld.idx.msk [tilespmem:v9+s2+$0x0], $0xffff  }
.Ltmp1:
0xa8: {  	v10 =	vld.idx.msk [tilespmem:v10+s2+$0x0], $0xffff;
	(pc) =	sbr.rel @p1 .LBB2_4-.Ltmp1, $4  }
0xa9: {  	v9 =	vld.idx.msk [tilespmem:v12+s2+$0x0], $0xffff  }
0xaa: {  	v8 =	vld.idx.msk [tilespmem:v13+s2+$0x0], $0xffff  }
0xab: {  	v6 =	vld.idx.msk [tilespmem:v14+s2+$0x0], $0xffff  }
0xac: {  	s20 =	sadd.s32 $0x100, s20;
	v12 =	vadd.f32 v16, v7;
	v7 =	vld.idx.msk [tilespmem:v15+s2+$0x0], $0xffff  }
0xad: {  	v5 =	vadd.f32 v5, v11  }
0xae: {  	v4 =	vadd.f32 v4, v10;
	[tilespmem:s18+$0xFFFFFF90] =	vst v12  }
0xaf: {  	v3 =	vadd.f32 v3, v9;
	[tilespmem:s18+$0xFFFFFFA0] =	vst v5  }
0xb0: {  	[tilespmem:s18+$0xFFFFFFB0] =	vst v4;
	v2 =	vadd.f32 v2, v8  }
0xb1: {  	[tilespmem:s18+$0xFFFFFFC0] =	vst v3;
	v1 =	vadd.f32 v1, v6  }
0xb2: {  	[tilespmem:s18+$0xFFFFFFD0] =	vst v2;
	v0 =	vadd.f32 v0, v7  }
0xb3: {  	[tilespmem:s18+$0xFFFFFFE0] =	vst v1  }
0xb4: {  	s17 =	sadd.s32 $0x1, s17;
	[tilespmem:s18+$0xFFFFFFF0] =	vst v0  }
0xb5: {  	[hbm4b:s7+s2] =	stream.linear.scatter [tilespmem:s16], [sflag:$0x3], $0x1380, $0x38;
	[tilespmem:$0xCAF8] =	vst v63  }
0xb6: {  	p1 =	sne.s32 s17, s8;
	_ =	swait.ge [sflag:s12], $0x1400  }
.Ltmp2:
0xb7: {  	[sflag:s12] =	ssyncset.done $0x0;
	(pc) =	sbr.rel @p1 .LBB2_1-.Ltmp2, $4  }
0xb8: {  	[sflag:s12] =	ssyncadd.s32 $0xFFFFEC00  }
0xb9: {  	_ =	swait.ge [sflag:s15], $0x1380  }
0xba: {  	[sflag:s15] =	ssyncset.done $0x0  }
0xbb: {  	[sflag:s15] =	ssyncadd.s32 $0xFFFFEC80  }
0xbc: {  	_ =	sfence.sel $0x180000  }
0xbd: {  	[bflag:$0x0] =	sbarrier.arrive $0xFFFF  }
0xbe: {  	_ =	strace $0x90000047  }
0xbf: {  	s0 =	sadd.s32 @!p0 $0x100000, s0;
	[bflag:$0x2] =	sbarrier.arrive $0xFFFF  }
0xc0: {  	[sflag:s0] =	ssyncadd.tile.s32 @!p0 $0x1;
	_ =	shalt  }
.Lfunc_end2:
_tile_overlayer_lowered:
.L_overlay_start_2:
0xc1: {  	(tag) =	ssettag $0x2  }
0xc2: {  	s0 =	rddreg [dreg:$0x0];
	s2 =	stileid.u32  }
0xc3: {  	s1 =	rddreg [dreg:$0x1];
	p0 =	sne.s32 s2, $0x0  }
0xc4: {  	s3 =	rddreg [dreg:$0x2];
	[bflag:$0x3] =	sbarrier.arrive $0xFFFF;
	s2 =	simm.s32 @!p0 $0x1C04  }
0xc5: {  	[timem:s3], [sflag:s2] =	dma.local @!p0 [hbm:s0], s1  }
0xc6: {  	s0 =	simm.s32 @!p0 $0x4  }
0xc7: {  	_ =	swait.ge @!p0 [sflag:s0], s1  }
0xc8: {  	s1 =	ssub.s32 @!p0 $0x0, s1;
	[sflag:s0] =	ssyncset.done @!p0 $0x0  }
0xc9: {  	[sflag:s0] =	ssyncadd.s32 @!p0 s1  }
0xca: {  	[bflag:$0x3] =	sbarrier.arrive $0xFFFF  }
0xcb: {  	_ =	shalt  }

</sc_bundles>
